<compile_context>
chip_gen: v7x
topology: tpu7x:2x2x1
jax: 0.10.2.dev20260603
libtpu: 0.0.44.dev20260713+nightly
codegen_flags: <defaults>
</compile_context>

<pallas_src>
import jax
import jax.numpy as jnp
from jax.experimental import pallas as pl

_TRIPLES = (
    (0, 3, 6), (0, 4, 8), (0, 5, 7), (1, 4, 7), (1, 3, 8), (1, 5, 6),
    (2, 5, 8), (2, 4, 6), (2, 3, 7), (0, 1, 2), (3, 4, 5), (6, 7, 8),
)

_N = 1_000_000
_BR = 1000
_RB = 8 * _BR


def _body(x_ref, o_ref):
    xb = x_ref[...].reshape(_RB, 9)
    t = xb.T
    a = jnp.concatenate([t[tr[0]:tr[0] + 1] for tr in _TRIPLES], axis=0)
    b = jnp.concatenate([t[tr[1]:tr[1] + 1] for tr in _TRIPLES], axis=0)
    c = jnp.concatenate([t[tr[2]:tr[2] + 1] for tr in _TRIPLES], axis=0)
    mins = jnp.minimum(jnp.minimum(a, b), c)
    maxs = jnp.maximum(jnp.maximum(a, b), c)
    y = jnp.concatenate([t, mins, maxs], axis=0)
    o_ref[...] = y.T.reshape(_BR, 8, 33)


def kernel(x):
    x = x.reshape(_N // 8, 8, 9)
    out = pl.pallas_call(
        _body,
        grid=(_N // _RB,),
        in_specs=[pl.BlockSpec((_BR, 8, 9), lambda i: (i, 0, 0))],
        out_specs=pl.BlockSpec((_BR, 8, 33), lambda i: (i, 0, 0)),
        out_shape=jax.ShapeDtypeStruct((_N // 8, 8, 33), jnp.float32),
    )(x)
    return out.reshape(_N, 33)

# --- scband reference (transcript-rebuilt; emitter-appended) ---
"""Pipeline reference for scband-feature-extract-61022895341905 (READ-ONLY COPY).

The authoritative reference and input builder live on the scoring server;
editing this copy changes nothing except your own understanding.
"""

import jax, jax.numpy as jnp
import numpy as np

INDEX_LIST = jnp.array([[0, 3, 6], [0, 4, 8], [0, 5, 7], [1, 4, 7], [1, 3, 8], [1, 5, 6], [2, 5, 8], [2, 4, 6], [2, 3, 7], [0, 1, 2], [3, 4, 5], [6, 7, 8]], dtype=jnp.int32)


def setup_inputs(seed: int = 0) -> dict:
    key = jax.random.key(seed)
    x = jax.random.normal(key, (1000000, 9), dtype=jnp.float32)
    return {"x": x}


def reference(x):
    x = x.reshape(-1, 9)
    # gather: sets[n, i, j] = x[n, INDEX_LIST[i, j]] -> shape [N, 12, 3]
    sets = jnp.take(x, INDEX_LIST, axis=1)
    min_feat = jnp.min(sets, axis=2)
    max_feat = jnp.max(sets, axis=2)
    out = jnp.concatenate([x, min_feat, max_feat], axis=1)
    return out

if __name__ == "__main__":
    import jax
    _d = setup_inputs()
    print(jax.jit(kernel)(*tuple(_d.values())))

</pallas_src>

<mosaic_0001>
module attributes {stable_mosaic.version = 14 : i64} {
  func.func @_body(%arg0: i32, %arg1: memref<1000x8x9xf32, #tpu.memory_space<vmem>>, %arg2: memref<1000x8x33xf32, #tpu.memory_space<vmem>>) attributes {dimension_semantics = [#tpu.dimension_semantics<arbitrary>], iteration_bounds = array<i64: 125>, scalar_prefetch = 0 : i64, scratch_operands = 0 : i64, tpu.core_type = #tpu.core_type<tc>, window_params = [{transform_indices = @transform_0, window_bounds = array<i64: 1000, 8, 9>}, {transform_indices = @transform_1, window_bounds = array<i64: 1000, 8, 33>}]} {
    %get3A = arith.constant 0 : index
    %get3A_0 = arith.constant 0 : index
    %get3A_1 = arith.constant 0 : index
    %get3A_2 = vector.load %arg1[%get3A, %get3A_0, %get3A_1] : memref<1000x8x9xf32, #tpu.memory_space<vmem>>, vector<1000x8x9xf32>
    %reshape3A = vector.shape_cast %get3A_2 : vector<1000x8x9xf32> to vector<8000x9xf32>
    %transpose3A = tpu.transpose %reshape3A, [1, 0] : vector<8000x9xf32> -> vector<9x8000xf32>
    %slice3A = vector.extract_strided_slice %transpose3A {offsets = [0, 0], sizes = [1, 8000], strides = [1, 1]} : vector<9x8000xf32> to vector<1x8000xf32>
    %slice3A_3 = vector.extract_strided_slice %transpose3A {offsets = [0, 0], sizes = [1, 8000], strides = [1, 1]} : vector<9x8000xf32> to vector<1x8000xf32>
    %slice3A_4 = vector.extract_strided_slice %transpose3A {offsets = [0, 0], sizes = [1, 8000], strides = [1, 1]} : vector<9x8000xf32> to vector<1x8000xf32>
    %slice3A_5 = vector.extract_strided_slice %transpose3A {offsets = [1, 0], sizes = [1, 8000], strides = [1, 1]} : vector<9x8000xf32> to vector<1x8000xf32>
    %slice3A_6 = vector.extract_strided_slice %transpose3A {offsets = [1, 0], sizes = [1, 8000], strides = [1, 1]} : vector<9x8000xf32> to vector<1x8000xf32>
    %slice3A_7 = vector.extract_strided_slice %transpose3A {offsets = [1, 0], sizes = [1, 8000], strides = [1, 1]} : vector<9x8000xf32> to vector<1x8000xf32>
    %slice3A_8 = vector.extract_strided_slice %transpose3A {offsets = [2, 0], sizes = [1, 8000], strides = [1, 1]} : vector<9x8000xf32> to vector<1x8000xf32>
    %slice3A_9 = vector.extract_strided_slice %transpose3A {offsets = [2, 0], sizes = [1, 8000], strides = [1, 1]} : vector<9x8000xf32> to vector<1x8000xf32>
    %slice3A_10 = vector.extract_strided_slice %transpose3A {offsets = [2, 0], sizes = [1, 8000], strides = [1, 1]} : vector<9x8000xf32> to vector<1x8000xf32>
    %slice3A_11 = vector.extract_strided_slice %transpose3A {offsets = [0, 0], sizes = [1, 8000], strides = [1, 1]} : vector<9x8000xf32> to vector<1x8000xf32>
    %slice3A_12 = vector.extract_strided_slice %transpose3A {offsets = [3, 0], sizes = [1, 8000], strides = [1, 1]} : vector<9x8000xf32> to vector<1x8000xf32>
    %slice3A_13 = vector.extract_strided_slice %transpose3A {offsets = [6, 0], sizes = [1, 8000], strides = [1, 1]} : vector<9x8000xf32> to vector<1x8000xf32>
    %concatenate3A = tpu.concatenate %slice3A, %slice3A_3, %slice3A_4, %slice3A_5, %slice3A_6, %slice3A_7, %slice3A_8, %slice3A_9, %slice3A_10, %slice3A_11, %slice3A_12, %slice3A_13 in 0 : vector<1x8000xf32>, vector<1x8000xf32>, vector<1x8000xf32>, vector<1x8000xf32>, vector<1x8000xf32>, vector<1x8000xf32>, vector<1x8000xf32>, vector<1x8000xf32>, vector<1x8000xf32>, vector<1x8000xf32>, vector<1x8000xf32>, vector<1x8000xf32> -> vector<12x8000xf32>
    %slice3A_14 = vector.extract_strided_slice %transpose3A {offsets = [3, 0], sizes = [1, 8000], strides = [1, 1]} : vector<9x8000xf32> to vector<1x8000xf32>
    %slice3A_15 = vector.extract_strided_slice %transpose3A {offsets = [4, 0], sizes = [1, 8000], strides = [1, 1]} : vector<9x8000xf32> to vector<1x8000xf32>
    %slice3A_16 = vector.extract_strided_slice %transpose3A {offsets = [5, 0], sizes = [1, 8000], strides = [1, 1]} : vector<9x8000xf32> to vector<1x8000xf32>
    %slice3A_17 = vector.extract_strided_slice %transpose3A {offsets = [4, 0], sizes = [1, 8000], strides = [1, 1]} : vector<9x8000xf32> to vector<1x8000xf32>
    %slice3A_18 = vector.extract_strided_slice %transpose3A {offsets = [3, 0], sizes = [1, 8000], strides = [1, 1]} : vector<9x8000xf32> to vector<1x8000xf32>
    %slice3A_19 = vector.extract_strided_slice %transpose3A {offsets = [5, 0], sizes = [1, 8000], strides = [1, 1]} : vector<9x8000xf32> to vector<1x8000xf32>
    %slice3A_20 = vector.extract_strided_slice %transpose3A {offsets = [5, 0], sizes = [1, 8000], strides = [1, 1]} : vector<9x8000xf32> to vector<1x8000xf32>
    %slice3A_21 = vector.extract_strided_slice %transpose3A {offsets = [4, 0], sizes = [1, 8000], strides = [1, 1]} : vector<9x8000xf32> to vector<1x8000xf32>
    %slice3A_22 = vector.extract_strided_slice %transpose3A {offsets = [3, 0], sizes = [1, 8000], strides = [1, 1]} : vector<9x8000xf32> to vector<1x8000xf32>
    %slice3A_23 = vector.extract_strided_slice %transpose3A {offsets = [1, 0], sizes = [1, 8000], strides = [1, 1]} : vector<9x8000xf32> to vector<1x8000xf32>
    %slice3A_24 = vector.extract_strided_slice %transpose3A {offsets = [4, 0], sizes = [1, 8000], strides = [1, 1]} : vector<9x8000xf32> to vector<1x8000xf32>
    %slice3A_25 = vector.extract_strided_slice %transpose3A {offsets = [7, 0], sizes = [1, 8000], strides = [1, 1]} : vector<9x8000xf32> to vector<1x8000xf32>
    %concatenate3A_26 = tpu.concatenate %slice3A_14, %slice3A_15, %slice3A_16, %slice3A_17, %slice3A_18, %slice3A_19, %slice3A_20, %slice3A_21, %slice3A_22, %slice3A_23, %slice3A_24, %slice3A_25 in 0 : vector<1x8000xf32>, vector<1x8000xf32>, vector<1x8000xf32>, vector<1x8000xf32>, vector<1x8000xf32>, vector<1x8000xf32>, vector<1x8000xf32>, vector<1x8000xf32>, vector<1x8000xf32>, vector<1x8000xf32>, vector<1x8000xf32>, vector<1x8000xf32> -> vector<12x8000xf32>
    %slice3A_27 = vector.extract_strided_slice %transpose3A {offsets = [6, 0], sizes = [1, 8000], strides = [1, 1]} : vector<9x8000xf32> to vector<1x8000xf32>
    %slice3A_28 = vector.extract_strided_slice %transpose3A {offsets = [8, 0], sizes = [1, 8000], strides = [1, 1]} : vector<9x8000xf32> to vector<1x8000xf32>
    %slice3A_29 = vector.extract_strided_slice %transpose3A {offsets = [7, 0], sizes = [1, 8000], strides = [1, 1]} : vector<9x8000xf32> to vector<1x8000xf32>
    %slice3A_30 = vector.extract_strided_slice %transpose3A {offsets = [7, 0], sizes = [1, 8000], strides = [1, 1]} : vector<9x8000xf32> to vector<1x8000xf32>
    %slice3A_31 = vector.extract_strided_slice %transpose3A {offsets = [8, 0], sizes = [1, 8000], strides = [1, 1]} : vector<9x8000xf32> to vector<1x8000xf32>
    %slice3A_32 = vector.extract_strided_slice %transpose3A {offsets = [6, 0], sizes = [1, 8000], strides = [1, 1]} : vector<9x8000xf32> to vector<1x8000xf32>
    %slice3A_33 = vector.extract_strided_slice %transpose3A {offsets = [8, 0], sizes = [1, 8000], strides = [1, 1]} : vector<9x8000xf32> to vector<1x8000xf32>
    %slice3A_34 = vector.extract_strided_slice %transpose3A {offsets = [6, 0], sizes = [1, 8000], strides = [1, 1]} : vector<9x8000xf32> to vector<1x8000xf32>
    %slice3A_35 = vector.extract_strided_slice %transpose3A {offsets = [7, 0], sizes = [1, 8000], strides = [1, 1]} : vector<9x8000xf32> to vector<1x8000xf32>
    %slice3A_36 = vector.extract_strided_slice %transpose3A {offsets = [2, 0], sizes = [1, 8000], strides = [1, 1]} : vector<9x8000xf32> to vector<1x8000xf32>
    %slice3A_37 = vector.extract_strided_slice %transpose3A {offsets = [5, 0], sizes = [1, 8000], strides = [1, 1]} : vector<9x8000xf32> to vector<1x8000xf32>
    %slice3A_38 = vector.extract_strided_slice %transpose3A {offsets = [8, 0], sizes = [1, 8000], strides = [1, 1]} : vector<9x8000xf32> to vector<1x8000xf32>
    %concatenate3A_39 = tpu.concatenate %slice3A_27, %slice3A_28, %slice3A_29, %slice3A_30, %slice3A_31, %slice3A_32, %slice3A_33, %slice3A_34, %slice3A_35, %slice3A_36, %slice3A_37, %slice3A_38 in 0 : vector<1x8000xf32>, vector<1x8000xf32>, vector<1x8000xf32>, vector<1x8000xf32>, vector<1x8000xf32>, vector<1x8000xf32>, vector<1x8000xf32>, vector<1x8000xf32>, vector<1x8000xf32>, vector<1x8000xf32>, vector<1x8000xf32>, vector<1x8000xf32> -> vector<12x8000xf32>
    %min3A = arith.minimumf %concatenate3A, %concatenate3A_26 : vector<12x8000xf32>
    %min3A_40 = arith.minimumf %min3A, %concatenate3A_39 : vector<12x8000xf32>
    %max3A = arith.maximumf %concatenate3A, %concatenate3A_26 : vector<12x8000xf32>
    %max3A_41 = arith.maximumf %max3A, %concatenate3A_39 : vector<12x8000xf32>
    %concatenate3A_42 = tpu.concatenate %transpose3A, %min3A_40, %max3A_41 in 0 : vector<9x8000xf32>, vector<12x8000xf32>, vector<12x8000xf32> -> vector<33x8000xf32>
    %transpose3A_43 = tpu.transpose %concatenate3A_42, [1, 0] : vector<33x8000xf32> -> vector<8000x33xf32>
    %reshape3A_44 = vector.shape_cast %transpose3A_43 : vector<8000x33xf32> to vector<1000x8x33xf32>
    %swap3A = arith.constant 0 : index
    %swap3A_45 = arith.constant 0 : index
    %swap3A_46 = arith.constant 0 : index
    %swap3A_47 = vector.load %arg2[%swap3A, %swap3A_45, %swap3A_46] : memref<1000x8x33xf32, #tpu.memory_space<vmem>>, vector<1000x8x33xf32>
    tpu.vector_store %arg2[%swap3A, %swap3A_45, %swap3A_46], %reshape3A_44 {strides = array<i32>} : memref<1000x8x33xf32, #tpu.memory_space<vmem>>, vector<1000x8x33xf32>,
    return
  }
  func.func @transform_0(%arg0: i32) -> (i32, i32, i32) {
    %c0_i32 = arith.constant 0 : i32
    %c0_i32_0 = arith.constant 0 : i32
    %c0_i32_1 = arith.constant 0 : i32
    return %arg0, %c0_i32, %c0_i32_0 : i32, i32, i32
  }
  func.func @transform_1(%arg0: i32) -> (i32, i32, i32) {
    %c0_i32 = arith.constant 0 : i32
    %c0_i32_0 = arith.constant 0 : i32
    %c0_i32_1 = arith.constant 0 : i32
    return %arg0, %c0_i32, %c0_i32_0 : i32, i32, i32
  }
}

</mosaic_0001>

<sc_bundles>
// kernel: sparse-core-data-format-call.cloned.1.call-start
scs
called_computation_lowered:
.L_overlay_start_0:
0x0: {  	s2 =	sld [smem:$0x3FD9]  }
0x1: {  	s3 =	sld [smem:$0x3FFE];
	_ =	sdelay $0x1  }
0x2: {  	s1 =	srdreg.scid  }
0x3: {  	s0 =	sand.u32 $0x1, s1  }
0x4: {  	s18 =	sshll.u32 s0, $0xA;
	s2 =	sadd.s32 s3, s2  }
0x5: {  	s2 =	sadd.s32 s2, s18  }
0x6: {  	[smem:$0x3FC7] =	sst s2  }
0x7: {  	_ = 	snop  }
0x8: {  	s2 =	sld [smem:$0x3FD0];
	(tm) =	ssettm $0x1  }
0x9: {  	s19 =	sld [smem:$0x3FFB];
	_ =	sdelay $0x3  }
0xa: {  	_ =	strace s19  }
0xb: {  	s3 =	sld [smem:$0x3FFC];
	_ =	sdelay $0x3  }
0xc: {  	_ =	strace s3  }
0xd: {  	s3 =	sld [smem:$0x3FFD];
	_ =	sdelay $0x3  }
0xe: {  	_ =	strace s3  }
0xf: {  	_ =	strace $0x8FFFFFFF  }
0x10: {  	s20 =	sld [smem:$0x3FDB];
	_ =	sdelay $0x1  }
0x11: {  	s4 =	simm.s32 $_scs_section_size  }
0x12: {  	s5 =	simm.s32 $_size__tile_overlayer_lowered;
	s6 =	simm.s32 $_tile_overlayer_lowered  }
0x13: {  	s23 =	simm.s32 $0x1BFF;
	s22 =	sshll.u32 s6, $0x1;
	s3 =	sadd.s32 s4, s20  }
0x14: {  	s7 =	simm.s32 $0x0;
	s21 =	sshll.u32 s5, $0x1;
	s5 =	sadd.s32 s22, s3  }
0x15: {  	[timem:s7], [sflag:s23] =	dma.local [hbm:s5], s21  }
0x16: {  	_ =	swait.ge [sflag:s23], s21  }
0x17: {  	s4 =	ssub.s32 $0x0, s21;
	[sflag:s23] =	ssyncset.done $0x0  }
0x18: {  	[sflag:s23] =	ssyncadd.s32 s4;
	_ =	sdelay $0x1  }
0x19: {  	s24 =	simm.s32 $0x1B8B  }
0x1a: {  	_ =	swait.ge [sflag:s24], $0x1  }
0x1b: {  	[sflag:s24] =	ssyncset.done $0x0  }
0x1c: {  	s26 =	simm.s32 $0x1B8E;
	s25 =	sld [smem:$0x3FFE];
	[sflag:s24] =	ssyncadd.s32 $0xFFFFFFFF  }
0x1d: {  	s27 =	simm.s32 $execute0_lowered;
	[smem:$0x3FD2] =	sst s26  }
0x1e: {  	s5 =	sshll.u32 s27, $0x1;
	_ =	strace $0x80000046;
	[dreg:$0x1] =	wrdreg $0xFFFFFFFF  }
0x1f: {  	s28 =	simm.s32 $_size_execute0_lowered;
	s3 =	sadd.s32 s3, s5;
	[dreg:$0x0] =	wrdreg $0x0  }
0x20: {  	s5 =	sshll.u32 s28, $0x1;
	[dreg:$0x2] =	wrdreg s3  }
0x21: {  	[dreg:$0x3] =	wrdreg s5  }
0x22: {  	[dreg:$0x4] =	wrdreg $0xC0  }
0x23: {  	_ =	task [dreg:s7], $0x5FFFF  }
0x24: {  	[dreg:$0x1] =	wrdreg $0xFFFFFFFF  }
0x25: {  	[dreg:$0x0] =	wrdreg $0x60  }
0x26: {  	[dreg:$0x2] =	wrdreg s25  }
0x27: {  	[dreg:$0x3] =	wrdreg s2  }
0x28: {  	[dreg:$0x4] =	wrdreg $0x9  }
0x29: {  	_ =	task.clear_ibuf [dreg:s7], $0x5FFFF;
	_ =	strace $0x90000046  }
0x2a: {  	s29 =	simm.s32 $0x9;
	_ =	strace $0x80000048  }
0x2b: {  	_ =	swait.ge [sflag:s29], $0x1  }
0x2c: {  	[sflag:s29] =	ssyncadd.s32 $0xFFFFFFFF  }
0x2d: {  	_ =	strace $0x90000048  }
0x2e: {  	_ =	sfence  }
0x2f: {  	s30 =	sld [smem:$0x0];
	_ =	sdelay $0x2  }
0x30: {  	s31 =	sshll.u32 s1, $0xD;
	s1 =	sshrl.u32 s1, $0x2  }
0x31: {  	s3 =	sand.u32 $0x4000, s31;
	s1 =	sadd.s32 s1, s30  }
0x32: {  	s0 =	sor.u32 s3, s0;
	s1 =	sshll.u32 s1, $0x11  }
0x33: {  	s0 =	sor.u32 s1, s0  }
0x34: {  	s0 =	sadd.s32 $0x8F2B, s0  }
0x35: {  	[sflag:s0] =	ssyncadd.remote.s32 $0x1  }
0x36: {  	_ =	sfence.sel $0xFFFF  }
0x37: {  	[dreg:$0x0] =	wrdreg $0xFFFFFFFF;
	(pc) =	sbr.abs _section_cstart, $3  }
0x38: {  	[dreg:$0x1] =	wrdreg $0xFFFFFFFF  }
0x39: {  	_ =	task.clear_ibuf [dreg:s7], $0x2FFFF;
	_ =	strace $0x9FFFFFFF  }
0x3a: {  	(tm) =	ssettm $0x7FFFFFFF  }
0x3b: {  	_ =	shalt  }
tec
execute0_lowered:
.L_overlay_start_1:
0x0: {  	(tag) =	ssettag $0x1  }
0x1: {  	s4 =	rddreg [dreg:$0x0]  }
0x2: {  	s0 =	srdreg.scid;
	s2 =	rddreg [dreg:$0x1]  }
0x3: {  	s1 =	stileid.u32;
	s5 =	simm.s32 $0x1;
	s0 =	sshll.u32 s0, $0x4  }
0x4: {  	s7 =	simm.s32 $0x2;
	s12 =	simm.s32 $0x0;
	s3 =	sand.u32 $0x10, s0  }
.Ltmp0:
0x5: {  	s8 =	simm.s32 $0x7A1400;
	s3 =	sor.u32 s1, s3;
	(pc) =	sbr.rel .LBB1_1-.Ltmp0, $4  }
0x6: {  	s10 =	simm.s32 $0x0;
	s11 =	simm.s32 $0x0;
	s3 =	sshll.u32 s3, $0x7  }
0x7: {  	s0 =	rddreg [dreg:$0x2];
	_ =	strace $0x80000047;
	s6 =	ssub.s32 $0xF4200, s3  }
0x8: {  	s4 =	sadd.s32 $0xF42800, s4;
	[sflag:s5] =	ssyncpa.u1 $0x0;
	s6 =	sshrl.u32 s6, $0xC  }
0x9: {  	[sflag:s7] =	ssyncpa.u1 $0x0;
	s9 =	smov.u32 s3;
	s7 =	sadd.s32 $0x2, s6  }
.LBB1_5:
0xa: {  	[tilespmem:s22+$0x0 ss:$0x81] =	vst.msk $0xffff, v3;
	s15 =	sadd.s32 s18, s20  }
0xb: {  	s31 =	sadd.s32 s18, s21;
	[tilespmem:s15+$0x0 ss:$0x81] =	vst.msk $0xffff, v1  }
0xc: {  	[tilespmem:s31+$0x0 ss:$0x81] =	vst.msk $0xffff, v2  }
.LBB1_6:
0xd: {  	s15 =	sshll.u32 s10, $0x3  }
0xe: {  	s15 =	sand.u32 $0xFFFFFC00, s15  }
0xf: {  	s17 =	smulhi.u32 $0x218D6287, s15;
	_ =	sdelay $0x1  }
0x10: {  	s16 =	sand.u32 $0x7F, s10;
	s17 =	sshrl.u32 s17, $0x11  }
0x11: {  	s15 =	sor.u32 s16, s15;
	s18 =	smul.u32 $0xCCD, s17  }
0x12: {  	p0 =	sgt.s32 s10, $0xF4200;
	s19 =	smov.u32 s10;
	s16 =	smulhi.u32 $0x218D6287, s15  }
0x13: {  	s19 =	simm.s32 @!p0 $0xF4200;
	s18 =	sshrl.u32 s18, $0x11  }
0x14: {  	s13 =	sadd.s32 s13, s19;
	s16 =	sshrl.u32 s16, $0x11;
	s18 =	smul.u32 $0x28, s18  }
0x15: {  	s30 =	sadd.s32 $0xFFF0BE00, s13;
	s16 =	smul.u32 $0xF4280, s16  }
0x16: {  	s13 =	ssub.s32 $0xF4280, s13;
	p0 =	sgt.s32 s30, $0x7F;
	s29 =	ssub.s32 s17, s18  }
0x17: {  	s13 =	smul.u32 $0xA0, s13;
	s15 =	ssub.s32 s15, s16;
	s16 =	sand.u32 $0xFFFF, s29  }
0x18: {  	s31 =	sshrl.u32 s15, $0x3;
	s15 =	sand.u32 $0x7, s15;
	s16 =	smul.u32 $0x1E850, s16  }
0x19: {  	s13 =	sshrl.u32 s13, $0x2;
	s17 =	sadd.s32 s2, s31;
	s15 =	sshll.u32 s15, $0x12  }
0x1a: {  	s13 =	simm.s32 @p0 $0x0;
	s15 =	sor.u32 $0x400, s15;
	s16 =	sadd.s32 s16, s17  }
0x1b: {  	[hbm4b:s16+s15] =	stream.strided.scatter [tilespmem:s14], [sflag:$0x2], s13, s8, s15, $0x20;
	[tilespmem:$0x8080] =	vst v63  }
.LBB1_7:
0x1c: {  	p0 =	slt.u32 s11, $0x2  }
0x1d: {  	p1 =	sgt.s32 @!p0 s12, $0xF4200  }
0x1e: {  	s13 =	smov.u32 s12;
	s14 =	sshra.s32 @!p0 s12, $0x1F;
	p1 =	por !p1, p0  }
0x1f: {  	s12 =	sand.u32 @!p0 s14, s12;
	s13 =	simm.s32 @p1 $0xF4200  }
0x20: {  	s12 =	ssub.s32 @!p0 s13, s12  }
0x21: {  	s13 =	ssub.s32 @!p0 $0xF4280, s12  }
0x22: {  	s12 =	sadd.s32 @!p0 $0xFFF0BE00, s12;
	s13 =	smul.u32 @!p0 $0xA0, s13  }
0x23: {  	p1 =	sgt.s32 @!p0 s12, $0x7F  }
0x24: {  	s14 =	sadd.s32 $0x1000, s9;
	p1 =	por !p1, p0;
	s12 =	sshrl.u32 @!p0 s13, $0x2  }
0x25: {  	s12 =	simm.s32 @!p1 $0x0;
	p1 =	sgt.s32 s14, $0xF423F  }
0x26: {  	s14 =	smov.u32 @p1 s3;
	p1 =	sne.s32 s11, s7  }
.Ltmp1:
0x27: {  	_ = 	snop;
	(pc) =	sbr.rel @!p1 .LBB1_8-.Ltmp1, $4  }
0x28: {  	s13 =	simm.s32 @!p0 $0x2  }
0x29: {  	_ =	swait.ge @!p0 [sflag:s13], s12;
	s15 =	ssub.s32 @!p0 $0x0, s12  }
0x2a: {  	s12 =	smov.u32 s10;
	s11 =	sadd.s32 $0x1, s11;
	[sflag:s13] =	ssyncset.done @!p0 $0x0  }
0x2b: {  	s10 =	smov.u32 s9;
	s9 =	smov.u32 s14;
	[sflag:s13] =	ssyncadd.s32 @!p0 s15  }
.LBB1_1:
0x2c: {  	p0 =	sgt.u32 s11, s6  }
0x2d: {  	s14 =	smov.u32 s9;
	p1 =	sgt.s32 @!p0 s9, $0xF41C0  }
0x2e: {  	s13 =	sand.u32 @!p0 $0x1FFFFFF, s9;
	s15 =	sshra.s32 @!p0 s9, $0x1F;
	p1 =	por !p1, p0  }
0x2f: {  	s16 =	smulhi.u32 @!p0 $0x218DEF5, s13;
	s15 =	sand.u32 @!p0 s15, s9;
	s14 =	simm.s32 @p1 $0xF41C0  }
0x30: {  	s14 =	ssub.s32 @!p0 s14, s15  }
0x31: {  	s15 =	sshrl.u32 @!p0 s16, $0xD;
	s14 =	sadd.s32 @!p0 $0xFFF0BE40, s14  }
0x32: {  	s16 =	sxor.u32 @!p0 $0xFFFFFFFF, s11;
	s15 =	smul.u32 @!p0 $0xF4240, s15;
	s17 =	sshll.u32 @!p0 s14, $0x8  }
0x33: {  	s16 =	sshll.u32 @!p0 s16, $0xD;
	p1 =	sgt.s32 @!p0 s14, $0x7F;
	s14 =	ssub.s32 @!p0 $0x8000, s17  }
0x34: {  	s13 =	ssub.s32 @!p0 s13, s15;
	p1 =	por !p1, p0;
	s15 =	sand.u32 @!p0 $0x2000, s16  }
0x35: {  	s16 =	simm.s32 @!p0 $0x40;
	s14 =	sshrl.u32 @!p0 s14, $0x2;
	s13 =	sshll.u32 @!p0 s13, $0x4  }
0x36: {  	s17 =	simm.s32 @!p0 $0x80;
	s14 =	simm.s32 @!p1 $0x0;
	s13 =	sadd.s32 @!p0 s4, s13  }
0x37: {  	[tilespmem:s15], [sflag:$0x1] =	stream.strided.gather @!p0 [hbm4b:s13+s16], s14, s17, s16, $0x38;
	[tilespmem:$0x8080] =	vst v63  }
0x38: {  	p0 =	seq.s32 s11, $0x0  }
0x39: {  	p1 =	sge.u32 @!p0 s11, s7  }
0x3a: {  	p0 =	por p0, p1  }
.Ltmp2:
0x3b: {  	_ = 	snop;
	(pc) =	sbr.rel @p0 .LBB1_7-.Ltmp2, $1  }
0x3c: {  	_ =	sdelay $0x3  }
0x3d: {  	s13 =	ssub.s32 $0x0, s10  }
0x3e: {  	s14 =	sshra.s32 s10, $0x1F;
	p0 =	sgt.s32 s10, $0xF41C0;
	s15 =	smov.u32 s10  }
0x3f: {  	s13 =	sand.u32 s13, s14;
	s15 =	simm.s32 @!p0 $0xF41C0  }
0x40: {  	s14 =	sadd.s32 s13, s15  }
0x41: {  	s17 =	sadd.s32 $0x80, s10;
	s14 =	sadd.s32 $0xFFF0BE40, s14  }
0x42: {  	p1 =	slt.s32 s17, $0xF4240;
	s31 =	sshll.u32 s14, $0x8  }
0x43: {  	s17 =	simm.s32 @!p1 $0xF4240;
	s15 =	ssub.s32 $0x8000, s31  }
0x44: {  	p0 =	sgt.s32 s14, $0x7F;
	s14 =	sshrl.u32 s15, $0x2;
	s15 =	ssub.s32 s17, s10  }
0x45: {  	s14 =	simm.s32 @p0 $0x0;
	p0 =	slt.s32 s15, $0x1  }
.Ltmp3:
0x46: {  	_ = 	snop;
	(pc) =	sbr.rel @p0 .LBB1_6-.Ltmp3, $4  }
0x47: {  	s16 =	sand.u32 $0x1, s11  }
0x48: {  	s18 =	smul.u32 $0x2040, s16;
	_ =	swait.ge [sflag:s5], s14  }
0x49: {  	s14 =	ssub.s32 $0x0, s14;
	[sflag:s5] =	ssyncset.done $0x0  }
0x4a: {  	[sflag:s5] =	ssyncadd.s32 s14;
	s14 =	sor.u32 $0x4000, s18  }
0x4b: {  	s16 =	sshll.u32 s16, $0xD  }
0x4c: {  	v0 =	vmov s16  }
0x4d: {  	s17 =	simm.s32 $0x0  }
0x4e: {  	s18 =	simm.s32 $0x10;
	s17 =	sand.u32 $0x38, s17  }
0x4f: {  	s16 =	simm.s32 $0x0;
	s19 =	smul.u32 $0x204, s17;
	s20 =	sxor.u32 $0x20, s17  }
0x50: {  	p0 =	sne.s32 s15, $0x1;
	s22 =	sand.u32 $0x1FC0, s16;
	s21 =	smul.u32 $0x204, s20  }
.Ltmp4:
0x51: {  	s18 =	sand.u32 $0x38, s18;
	v3 =	vld.idx.msk [tilespmem:v0+s22+$0x20 ss:$0x1], $0xffff;
	(pc) =	sbr.rel @!p0 .LBB1_5-.Ltmp4, $4  }
0x52: {  	s17 =	simm.s32 $0x1;
	s23 =	smul.u32 $0x204, s18;
	v1 =	vld.idx.msk [tilespmem:v0+s22+$0x0 ss:$0x1], $0xffff  }
0x53: {  	s18 =	sand.u32 $0x7F, s16;
	s19 =	sshrl.u32 s19, $0x2;
	s30 =	sshrl.u32 s21, $0x2;
	v2 =	vld.idx.msk [tilespmem:v0+s22+$0x10 ss:$0x1], $0xffff  }
0x54: {  	s31 =	sshrl.u32 s23, $0x2;
	s20 =	sadd.s32 s19, s14;
	s19 =	sadd.s32 s30, s14  }
0x55: {  	s21 =	sadd.s32 s31, s14;
	s22 =	sadd.s32 s18, s19;
	s19 =	simm.s32 $0x808  }
.LBB1_4:
0x56: {  	s23 =	sadd.s32 $0xFFFFF800, s19;
	s24 =	sshrl.u32 s19, $0x7;
	[tilespmem:s22+$0x0 ss:$0x81] =	vst.msk $0xffff, v3;
	s22 =	smov.u32 s17  }
0x57: {  	s17 =	sadd.s32 $0x1, s17;
	s16 =	sadd.s32 $0x40, s16;
	s23 =	sshrl.u32 s23, $0x7  }
0x58: {  	p0 =	sne.s32 s15, s17;
	s25 =	sand.u32 $0x1FC0, s16;
	s23 =	sand.u32 $0x38, s23  }
0x59: {  	s24 =	sand.u32 $0x38, s24;
	s26 =	smul.u32 $0x204, s23;
	s23 =	sxor.u32 $0x20, s23  }
0x5a: {  	s20 =	sadd.s32 s18, s20;
	v3 =	vld.idx.msk [tilespmem:v0+s25+$0x20 ss:$0x1], $0xffff;
	s23 =	smul.u32 $0x204, s23  }
.Ltmp5:
0x5b: {  	s18 =	sadd.s32 s18, s21;
	[tilespmem:s20+$0x0 ss:$0x81] =	vst.msk $0xffff, v1;
	v1 =	vld.idx.msk [tilespmem:v0+s25+$0x0 ss:$0x1], $0xffff;
	(pc) =	sbr.rel @p0 .LBB1_4-.Ltmp5, $4  }
0x5c: {  	s21 =	smul.u32 $0x204, s24;
	s20 =	sshrl.u32 s26, $0x2;
	[tilespmem:s18+$0x0 ss:$0x81] =	vst.msk $0xffff, v2;
	v2 =	vld.idx.msk [tilespmem:v0+s25+$0x10 ss:$0x1], $0xffff  }
0x5d: {  	s20 =	sadd.s32 s20, s14;
	s23 =	sshrl.u32 s23, $0x2  }
0x5e: {  	s21 =	sshrl.u32 s21, $0x2;
	s18 =	sand.u32 $0x7F, s22;
	s22 =	sadd.s32 s23, s14  }
0x5f: {  	s19 =	sadd.s32 $0x8, s19;
	s21 =	sadd.s32 s21, s14;
	s22 =	sadd.s32 s18, s22  }
.Ltmp6:
0x60: {  	_ = 	snop;
	(pc) =	sbr.rel .LBB1_5-.Ltmp6, $1  }
0x61: {  	_ =	sdelay $0x3  }
.LBB1_8:
0x62: {  	_ =	sfence.sel $0x180000  }
0x63: {  	s2 =	simm.s32 $0x1;
	[bflag:$0x0] =	sbarrier.arrive $0xFFFF  }
0x64: {  	s31 =	simm.s32 $0x2;
	[sflag:s2] =	ssyncpa.u1 $0x1  }
0x65: {  	[sflag:s31] =	ssyncpa.u1 $0x1  }
0x66: {  	p0 =	sne.s32 s1, $0x0;
	_ =	strace $0x90000047  }
0x67: {  	s0 =	sadd.s32 @!p0 $0x100000, s0;
	[bflag:$0x2] =	sbarrier.arrive $0xFFFF  }
0x68: {  	[sflag:s0] =	ssyncadd.tile.s32 @!p0 $0x1;
	_ =	shalt  }
.Lfunc_end1:
_tile_overlayer_lowered:
.L_overlay_start_2:
0x69: {  	(tag) =	ssettag $0x2  }
0x6a: {  	s0 =	rddreg [dreg:$0x0];
	s2 =	stileid.u32  }
0x6b: {  	s1 =	rddreg [dreg:$0x1];
	p0 =	sne.s32 s2, $0x0  }
0x6c: {  	s3 =	rddreg [dreg:$0x2];
	[bflag:$0x3] =	sbarrier.arrive $0xFFFF;
	s2 =	simm.s32 @!p0 $0x1C01  }
0x6d: {  	[timem:s3], [sflag:s2] =	dma.local @!p0 [hbm:s0], s1  }
0x6e: {  	s0 =	simm.s32 @!p0 $0x1  }
0x6f: {  	_ =	swait.ge @!p0 [sflag:s0], s1  }
0x70: {  	s1 =	ssub.s32 @!p0 $0x0, s1;
	[sflag:s0] =	ssyncset.done @!p0 $0x0  }
0x71: {  	[sflag:s0] =	ssyncadd.s32 @!p0 s1  }
0x72: {  	[bflag:$0x3] =	sbarrier.arrive $0xFFFF  }
0x73: {  	_ =	shalt  }

</sc_bundles>
